<compile_context>
chip_gen: v7x
topology: tpu7x:2x2x1
jax: 0.10.2.dev20260603
libtpu: 0.0.44.dev20260713+nightly
codegen_flags: <defaults>
</compile_context>

<pallas_src>
import functools

import jax
import jax.numpy as jnp
from jax import lax
from jax.experimental import pallas as pl
from jax.experimental.pallas import tpu as pltpu
from jax.experimental.pallas import tpu_sc as plsc

N = 16384
K = 8192
D = 64
BETA = 0.25
TN = 1024
KT = 4096
NB = N // TN


def _assign_body(zs_ref, cb_ref, z2_ref, c2_ref, idx_ref, vq_ref, com_ref,
                 perp_ref, uniq_ref, counts, lsum):
    i = pl.program_id(0)

    @pl.when(i == 0)
    def _init():
        counts[...] = jnp.zeros_like(counts)
        lsum[0] = jnp.float32(0.0)

    zs = zs_ref[...]
    z2 = z2_ref[...]

    halves = []
    for h in range(2):
        cb = cb_ref[pl.ds(h * KT, KT), :]
        c2 = c2_ref[0, pl.ds(h * KT, KT)]
        dotn = lax.dot_general(zs, cb, (((1,), (1,)), ((), ())),
                               preferred_element_type=jnp.float32)
        d2 = (z2 + dotn) + c2[None, :]
        dist = jnp.sqrt(jnp.maximum(d2, 0.0))
        mval = jnp.min(dist, axis=1)
        iota = lax.broadcasted_iota(
            jnp.int32, (TN, KT), 1).astype(jnp.float32)
        cand = jnp.where(dist == mval[:, None], iota, jnp.float32(KT))
        lidx = jnp.min(cand, axis=1).astype(jnp.int32) + (h * KT)
        halves.append((mval, lidx))
    (u1, i1), (u2, i2) = halves
    u1b = u1.astype(jnp.bfloat16).astype(jnp.float32)
    take2 = u2 < u1b
    aidx = jnp.where(take2, i2, i1)
    winval = jnp.where(take2, u2, u1)

    idx_ref[...] = aidx
    lsum[0] += jnp.sum(winval * winval)

    ones_row = jnp.ones((1, TN), jnp.bfloat16)
    aidx_f = aidx.astype(jnp.float32)
    iota = lax.broadcasted_iota(jnp.int32, (TN, KT), 1).astype(jnp.float32)
    for kc in range(K // KT):
        local = aidx_f - float(kc * KT)
        oh = jnp.where(iota == local[:, None], 1.0, 0.0).astype(jnp.bfloat16)
        colsum = lax.dot_general(ones_row, oh, (((1,), (0,)), ((), ())),
                                 preferred_element_type=jnp.float32)
        counts[pl.ds(kc * KT, KT)] += colsum[0]

    @pl.when(i == NB - 1)
    def _finalize():
        vq = lsum[0] * (1.0 / (N * D))
        vq_ref[...] = jnp.full((1, 1), vq, jnp.float32)
        com_ref[...] = jnp.full((1, 1), BETA * vq, jnp.float32)
        probs = counts[...] * (1.0 / N)
        ent = -jnp.sum(probs * jnp.log(probs + 1e-10))
        perp_ref[...] = jnp.full((1, 1), jnp.exp(ent), jnp.float32)
        uniq = jnp.sum((counts[...] > 0).astype(jnp.int32))
        uniq_ref[...] = jnp.full((1, 1), uniq, jnp.int32)


_assign = pl.pallas_call(
    _assign_body,
    grid=(NB,),
    in_specs=[
        pl.BlockSpec((TN, D), lambda i: (i, 0)),
        pl.BlockSpec((K, D), lambda i: (0, 0)),
        pl.BlockSpec((TN, 1), lambda i: (i, 0)),
        pl.BlockSpec((1, K), lambda i: (0, 0)),
    ],
    out_specs=[
        pl.BlockSpec((TN,), lambda i: (i,)),
        pl.BlockSpec((1, 1), lambda i: (0, 0)),
        pl.BlockSpec((1, 1), lambda i: (0, 0)),
        pl.BlockSpec((1, 1), lambda i: (0, 0)),
        pl.BlockSpec((1, 1), lambda i: (0, 0)),
    ],
    out_shape=[
        jax.ShapeDtypeStruct((N,), jnp.int32),
        jax.ShapeDtypeStruct((1, 1), jnp.float32),
        jax.ShapeDtypeStruct((1, 1), jnp.float32),
        jax.ShapeDtypeStruct((1, 1), jnp.float32),
        jax.ShapeDtypeStruct((1, 1), jnp.int32),
    ],
    scratch_shapes=[
        pltpu.VMEM((K,), jnp.float32),
        pltpu.SMEM((1,), jnp.float32),
    ],
    compiler_params=pltpu.CompilerParams(
        dimension_semantics=("arbitrary",)),
)


@functools.cache
def _sc_gather():
    info = plsc.get_sparse_core_info()
    nw = info.num_cores * info.num_subcores
    bpw = N // nw

    @functools.partial(
        pl.kernel,
        mesh=plsc.VectorSubcoreMesh(core_axis_name="c", subcore_axis_name="s"),
        out_type=jax.ShapeDtypeStruct((N, D), jnp.float32),
        scratch_types=[
            pltpu.VMEM((bpw,), jnp.int32),
            pltpu.VMEM((bpw, D), jnp.float32),
            pltpu.SemaphoreType.DMA,
        ],
        compiler_params=pltpu.CompilerParams(use_tc_tiling_on_sc=False),
    )
    def gather(cb_hbm, idx_hbm, out_hbm, idx_v, rows_v, sem):
        wid = lax.axis_index("s") * info.num_cores + lax.axis_index("c")
        base = wid * bpw
        pltpu.sync_copy(idx_hbm.at[pl.ds(base, bpw)], idx_v)
        pltpu.async_copy(cb_hbm.at[idx_v], rows_v, sem).wait()
        pltpu.sync_copy(rows_v, out_hbm.at[pl.ds(base, bpw)])

    return gather


def kernel(z_feats, batch_ids, codebook):
    del batch_ids
    z2 = jnp.sum(z_feats ** 2, axis=1, keepdims=True)
    c2 = jnp.sum(codebook ** 2, axis=1)[None, :]
    zs = (-2.0 * z_feats).astype(jnp.bfloat16)
    cb16 = codebook.astype(jnp.bfloat16)
    idx, vq, com, perp, uniq = _assign(zs, cb16, z2, c2)
    quantized = _sc_gather()(codebook, idx)
    return (quantized, vq.reshape(()), com.reshape(()), idx,
            perp.reshape(()), uniq.reshape(()))

# --- scband reference (transcript-rebuilt; emitter-appended) ---
"""Pipeline reference for scband-sparse-sdfvqvae-10711648436603 (READ-ONLY COPY).

The authoritative reference and input builder live on the scoring server;
editing this copy changes nothing except your own understanding.
"""

import jax, jax.numpy as jnp
import numpy as np

NUM_EMBEDDINGS = 8192
EMBEDDING_DIM = 64
BETA = 0.25
N_TOKENS = 16384
N_BATCH = 16


def setup_inputs(seed: int = 0) -> dict:
    key = jax.random.key(seed)
    k1, k2, k3 = jax.random.split(key, 3)
    z_feats = jax.random.normal(k1, (N_TOKENS, EMBEDDING_DIM), dtype=jnp.float32)
    batch_ids = jnp.sort(jax.random.randint(k2, (N_TOKENS,), 0, N_BATCH)).astype(jnp.int64)
    # learned codebook (nn.Embedding weight, init normal(0,1))
    codebook = jax.random.normal(k3, (NUM_EMBEDDINGS, EMBEDDING_DIM), dtype=jnp.float32)
    return {"z_feats": z_feats, "batch_ids": batch_ids, "codebook": codebook}


def reference(z_feats, batch_ids, codebook):
    # torch.cdist(z, codebook): euclidean distances [N, K]
    z2 = jnp.sum(z_feats ** 2, axis=1, keepdims=True)
    c2 = jnp.sum(codebook ** 2, axis=1)
    sq = z2 - 2.0 * (z_feats @ codebook.T) + c2[None, :]
    distances = jnp.sqrt(jnp.maximum(sq, 0.0))
    encoding_indices = jnp.argmin(distances, axis=1)
    # embedding lookup of selected codes
    quantized = jnp.take(codebook, encoding_indices, axis=0)
    # losses (gradient-update mode, use_ema_update=False)
    commitment_loss = BETA * jnp.mean((jax.lax.stop_gradient(quantized) - z_feats) ** 2)
    vq_loss = jnp.mean((quantized - jax.lax.stop_gradient(z_feats)) ** 2)
    # straight-through estimator
    quantized_st = z_feats + jax.lax.stop_gradient(quantized - z_feats)
    # codebook usage stats (batch-level): one-hot mean -> entropy -> perplexity
    counts = jnp.bincount(encoding_indices, length=NUM_EMBEDDINGS)
    probs = counts.astype(jnp.float32) / encoding_indices.shape[0]
    entropy = -jnp.sum(probs * jnp.log(probs + 1e-10))
    perplexity = jnp.exp(entropy)
    unique_count = jnp.sum(counts > 0)
    return quantized_st, vq_loss, commitment_loss, encoding_indices, perplexity, unique_count

if __name__ == "__main__":
    import jax
    _d = setup_inputs()
    print(jax.jit(kernel)(*tuple(_d.values())))

</pallas_src>

<mosaic_0001>
#map = affine_map<(d0, d1) -> (0, 0)>
#map1 = affine_map<(d0, d1) -> (0)>
module attributes {stable_mosaic.version = 14 : i64} {
  func.func @gather(%arg0: i32, %arg1: i32, %arg2: memref<8192x64xf32, #tpu.memory_space<hbm>>, %arg3: memref<16384xi32, #tpu.memory_space<hbm>>, %arg4: memref<16384x64xf32, #tpu.memory_space<hbm>>, %arg5: memref<512xi32, #tpu.memory_space<vmem>>, %arg6: memref<512x64xf32, #tpu.memory_space<vmem>>, %arg7: memref<!tpu.dma_semaphore, #tpu.memory_space<semaphore_mem>>) attributes {dimension_semantics = [#tpu.dimension_semantics<core_parallel>, #tpu.dimension_semantics<subcore_parallel>], iteration_bounds = array<i64: 2, 16>, scalar_prefetch = 0 : i64, scratch_operands = 3 : i64, tpu.core_type = #tpu.core_type<sc_vector_subcore>, window_params = [{transform_indices = #map}, {transform_indices = #map1}, {transform_indices = #map}]} {
    %mul3A = arith.constant 2 : i32
    %mul3A_0 = arith.muli %arg1, %mul3A : i32
    %add3A = arith.addi %mul3A_0, %arg0 : i32
    %mul3A_1 = arith.constant 512 : i32
    %mul3A_2 = arith.muli %add3A, %mul3A_1 : i32
    "tpu.region"() ({
      %run_scoped3A = tpu.sem_alloc : memref<!tpu.dma_semaphore, #tpu.memory_space<semaphore_mem>>
      %dma_start3A_7 = tpu.memref_slice %arg3[%mul3A_2] : memref<16384xi32, #tpu.memory_space<hbm>> -> memref<512xi32, #tpu.memory_space<hbm>>
      %dma_start3A_8 = tpu.memref_slice %arg3[%mul3A_2] : memref<16384xi32, #tpu.memory_space<hbm>> -> memref<512xi32, #tpu.memory_space<hbm>>
      tpu.enqueue_dma source(%dma_start3A_8 : memref<512xi32, #tpu.memory_space<hbm>>) target(%arg5 : memref<512xi32, #tpu.memory_space<vmem>>) target_semaphore(%run_scoped3A : memref<!tpu.dma_semaphore, #tpu.memory_space<semaphore_mem>>)
      %dma_wait3A_9 = tpu.memref_slice %arg3[%mul3A_2] : memref<16384xi32, #tpu.memory_space<hbm>> -> memref<512xi32, #tpu.memory_space<hbm>>
      %dma_wait3A_10 = tpu.memref_slice %arg3[%mul3A_2] : memref<16384xi32, #tpu.memory_space<hbm>> -> memref<512xi32, #tpu.memory_space<hbm>>
      tpu.wait_dma2 semaphore(%run_scoped3A : memref<!tpu.dma_semaphore, #tpu.memory_space<semaphore_mem>>) src(%dma_wait3A_10 : memref<512xi32, #tpu.memory_space<hbm>>) dst(%arg5 : memref<512xi32, #tpu.memory_space<vmem>>)
      tpu.yield
    }) : () -> ()
    %dma_start3A = arith.constant 0 : i32
    %dma_start3A_3 = arith.constant 0 : i32
    %dma_start3A_4 = tpu.memref_slice %arg2[%dma_start3A, %dma_start3A_3] : memref<8192x64xf32, #tpu.memory_space<hbm>> -> memref<8192x64xf32, #tpu.memory_space<hbm>>
    tpu.enqueue_indirect_dma source(%dma_start3A_4 : memref<8192x64xf32, #tpu.memory_space<hbm>>) target(%arg6 : memref<512x64xf32, #tpu.memory_space<vmem>>) offsets(%arg5 : memref<512xi32, #tpu.memory_space<vmem>>) semaphore(%arg7 : memref<!tpu.dma_semaphore, #tpu.memory_space<semaphore_mem>>)
    %dma_wait3A = arith.constant 0 : i32
    %dma_wait3A_5 = arith.constant 0 : i32
    %dma_wait3A_6 = tpu.memref_slice %arg2[%dma_wait3A, %dma_wait3A_5] : memref<8192x64xf32, #tpu.memory_space<hbm>> -> memref<8192x64xf32, #tpu.memory_space<hbm>>
    tpu.wait_indirect_dma semaphore(%arg7 : memref<!tpu.dma_semaphore, #tpu.memory_space<semaphore_mem>>) src(%dma_wait3A_6 : memref<8192x64xf32, #tpu.memory_space<hbm>>) dst(%arg6 : memref<512x64xf32, #tpu.memory_space<vmem>>)
    "tpu.region"() ({
      %run_scoped3A = tpu.sem_alloc : memref<!tpu.dma_semaphore, #tpu.memory_space<semaphore_mem>>
      %dma_start3A_7 = arith.constant 0 : i32
      %dma_start3A_8 = tpu.memref_slice %arg4[%mul3A_2, %dma_start3A_7] : memref<16384x64xf32, #tpu.memory_space<hbm>> -> memref<512x64xf32, #tpu.memory_space<hbm>>
      %dma_start3A_9 = arith.constant 0 : i32
      %dma_start3A_10 = tpu.memref_slice %arg4[%mul3A_2, %dma_start3A_9] : memref<16384x64xf32, #tpu.memory_space<hbm>> -> memref<512x64xf32, #tpu.memory_space<hbm>>
      tpu.enqueue_dma source(%arg6 : memref<512x64xf32, #tpu.memory_space<vmem>>) target(%dma_start3A_10 : memref<512x64xf32, #tpu.memory_space<hbm>>) target_semaphore(%run_scoped3A : memref<!tpu.dma_semaphore, #tpu.memory_space<semaphore_mem>>)
      %dma_wait3A_11 = arith.constant 0 : i32
      %dma_wait3A_12 = tpu.memref_slice %arg4[%mul3A_2, %dma_wait3A_11] : memref<16384x64xf32, #tpu.memory_space<hbm>> -> memref<512x64xf32, #tpu.memory_space<hbm>>
      %dma_wait3A_13 = arith.constant 0 : i32
      %dma_wait3A_14 = tpu.memref_slice %arg4[%mul3A_2, %dma_wait3A_13] : memref<16384x64xf32, #tpu.memory_space<hbm>> -> memref<512x64xf32, #tpu.memory_space<hbm>>
      tpu.wait_dma2 semaphore(%run_scoped3A : memref<!tpu.dma_semaphore, #tpu.memory_space<semaphore_mem>>) src(%arg6 : memref<512x64xf32, #tpu.memory_space<vmem>>) dst(%dma_wait3A_14 : memref<512x64xf32, #tpu.memory_space<hbm>>)
      tpu.yield
    }) : () -> ()
    return
  }
}

module attributes {stable_mosaic.version = 14 : i64} {
  func.func @_assign_body(%arg0: i32, %arg1: memref<1024x64xbf16, #tpu.memory_space<vmem>>, %arg2: memref<8192x64xbf16, #tpu.memory_space<vmem>>, %arg3: memref<1024x1xf32, #tpu.memory_space<vmem>>, %arg4: memref<1x8192xf32, #tpu.memory_space<vmem>>, %arg5: memref<1024xi32, #tpu.memory_space<vmem>>, %arg6: memref<1x1xf32, #tpu.memory_space<vmem>>, %arg7: memref<1x1xf32, #tpu.memory_space<vmem>>, %arg8: memref<1x1xf32, #tpu.memory_space<vmem>>, %arg9: memref<1x1xi32, #tpu.memory_space<vmem>>, %arg10: memref<8192xf32, #tpu.memory_space<vmem>>, %arg11: memref<1xf32, #tpu.memory_space<smem>>) attributes {dimension_semantics = [#tpu.dimension_semantics<arbitrary>], iteration_bounds = array<i64: 16>, scalar_prefetch = 0 : i64, scratch_operands = 2 : i64, tpu.core_type = #tpu.core_type<tc>, window_params = [{transform_indices = @transform_0, window_bounds = array<i64: 1024, 64>}, {pipeline_mode = #tpu.pipeline_mode<synchronous>, transform_indices = @transform_1, window_bounds = array<i64: 8192, 64>}, {transform_indices = @transform_2, window_bounds = array<i64: 1024, 1>}, {pipeline_mode = #tpu.pipeline_mode<synchronous>, transform_indices = @transform_3, window_bounds = array<i64: 1, 8192>}, {transform_indices = @transform_4, window_bounds = array<i64: 1024>}, {pipeline_mode = #tpu.pipeline_mode<synchronous>, transform_indices = @transform_5, window_bounds = array<i64: 1, 1>}, {pipeline_mode = #tpu.pipeline_mode<synchronous>, transform_indices = @transform_6, window_bounds = array<i64: 1, 1>}, {pipeline_mode = #tpu.pipeline_mode<synchronous>, transform_indices = @transform_7, window_bounds = array<i64: 1, 1>}, {pipeline_mode = #tpu.pipeline_mode<synchronous>, transform_indices = @transform_8, window_bounds = array<i64: 1, 1>}]} {
    %eq3A = arith.constant 0 : i32
    %eq3A_0 = arith.cmpi eq, %arg0, %eq3A : i32
    %convert_element_type3A = arith.extui %eq3A_0 : i1 to i32
    %cond3A = arith.constant 0 : i32
    %cond3A_1 = arith.cmpi ne, %convert_element_type3A, %cond3A : i32
    scf.if %cond3A_1 {
      %broadcast_in_dim3A_128 = arith.constant 0.000000e+00 : f32
      %broadcast_in_dim3A_129 = vector.broadcast %broadcast_in_dim3A_128 : f32 to vector<8192xf32>
      %swap3A_130 = arith.constant 0 : index
      %swap3A_131 = vector.load %arg10[%swap3A_130] : memref<8192xf32, #tpu.memory_space<vmem>>, vector<8192xf32>
      tpu.vector_store %arg10[%swap3A_130], %broadcast_in_dim3A_129 {strides = array<i32>} : memref<8192xf32, #tpu.memory_space<vmem>>, vector<8192xf32>,
      %swap3A_132 = arith.constant 0.000000e+00 : f32
      %swap3A_133 = arith.constant 0 : index
      %swap3A_134 = memref.load %arg11[%swap3A_133] : memref<1xf32, #tpu.memory_space<smem>>
      memref.store %swap3A_132, %arg11[%swap3A_133] : memref<1xf32, #tpu.memory_space<smem>>
    } else {
    }
    %get3A = arith.constant 0 : index
    %get3A_2 = arith.constant 0 : index
    %get3A_3 = vector.load %arg1[%get3A, %get3A_2] : memref<1024x64xbf16, #tpu.memory_space<vmem>>, vector<1024x64xbf16>
    %get3A_4 = arith.constant 0 : index
    %get3A_5 = arith.constant 0 : index
    %get3A_6 = vector.load %arg3[%get3A_4, %get3A_5] : memref<1024x1xf32, #tpu.memory_space<vmem>>, vector<1024x1xf32>
    %get3A_7 = arith.constant 0 : index
    %get3A_8 = arith.constant 0 : index
    %get3A_9 = vector.load %arg2[%get3A_7, %get3A_8] : memref<8192x64xbf16, #tpu.memory_space<vmem>>, vector<4096x64xbf16>
    %get3A_10 = arith.constant 0 : index
    %get3A_11 = arith.constant 0 : index
    %get3A_12 = vector.load %arg4[%get3A_10, %get3A_11] : memref<1x8192xf32, #tpu.memory_space<vmem>>, vector<1x4096xf32>
    %get3A_13 = vector.shape_cast %get3A_12 : vector<1x4096xf32> to vector<4096xf32>
    %dot_general3A = arith.constant dense<0.000000e+00> : vector<1024x4096xf32>
    %dot_general3A_14 = tpu.matmul %get3A_3, %get3A_9, %dot_general3A {dimension_numbers = #tpu.dot_dimension_numbers<[1], [1], [0], [0], [0, 0, 1, 0], [], []>, transpose_lhs_hint = false} : vector<1024x64xbf16>, vector<4096x64xbf16>, vector<1024x4096xf32> -> vector<1024x4096xf32>
    %add3A = vector.broadcast %get3A_6 : vector<1024x1xf32> to vector<1024x4096xf32>
    %add3A_15 = arith.addf %add3A, %dot_general3A_14 : vector<1024x4096xf32>
    %broadcast_in_dim3A = vector.shape_cast %get3A_13 : vector<4096xf32> to vector<1x4096xf32>
    %add3A_16 = vector.broadcast %broadcast_in_dim3A : vector<1x4096xf32> to vector<1024x4096xf32>
    %add3A_17 = arith.addf %add3A_15, %add3A_16 : vector<1024x4096xf32>
    %max3A = arith.constant 0.000000e+00 : f32
    %max3A_18 = vector.broadcast %max3A : f32 to vector<1024x4096xf32>
    %max3A_19 = arith.maximumf %add3A_17, %max3A_18 : vector<1024x4096xf32>
    %sqrt3A = math.sqrt %max3A_19 : vector<1024x4096xf32>
    %reduce_min3A = arith.constant dense<0x7F800000> : vector<1024xf32>
    %reduce_min3A_20 = vector.multi_reduction <minimumf>, %sqrt3A, %reduce_min3A [1] : vector<1024x4096xf32> to vector<1024xf32>
    %iota3A = tpu.iota {dimensions = array<i32: 1>} : vector<1024x4096xi32>
    %convert_element_type3A_21 = arith.sitofp %iota3A : vector<1024x4096xi32> to vector<1024x4096xf32>
    %broadcast_in_dim3A_22 = vector.shape_cast %reduce_min3A_20 : vector<1024xf32> to vector<1024x1xf32>
    %eq3A_23 = vector.broadcast %broadcast_in_dim3A_22 : vector<1024x1xf32> to vector<1024x4096xf32>
    %eq3A_24 = arith.cmpf oeq, %sqrt3A, %eq3A_23 : vector<1024x4096xf32>
    %jit3A = arith.constant 4.096000e+03 : f32
    %broadcast_in_dim3A_25 = vector.broadcast %jit3A : f32 to vector<1024x4096xf32>
    %select_n3A = arith.select %eq3A_24, %convert_element_type3A_21, %broadcast_in_dim3A_25 : vector<1024x4096xi1>, vector<1024x4096xf32>
    %reduce_min3A_26 = arith.constant dense<0x7F800000> : vector<1024xf32>
    %reduce_min3A_27 = vector.multi_reduction <minimumf>, %select_n3A, %reduce_min3A_26 [1] : vector<1024x4096xf32> to vector<1024xf32>
    %convert_element_type3A_28 = arith.fptosi %reduce_min3A_27 : vector<1024xf32> to vector<1024xi32>
    %add3A_29 = arith.constant 0 : i32
    %add3A_30 = vector.broadcast %add3A_29 : i32 to vector<1024xi32>
    %add3A_31 = arith.addi %convert_element_type3A_28, %add3A_30 : vector<1024xi32>
    %get3A_32 = arith.constant 4096 : index
    %get3A_33 = arith.constant 0 : index
    %get3A_34 = vector.load %arg2[%get3A_32, %get3A_33] : memref<8192x64xbf16, #tpu.memory_space<vmem>>, vector<4096x64xbf16>
    %get3A_35 = arith.constant 0 : index
    %get3A_36 = arith.constant 4096 : index
    %get3A_37 = vector.load %arg4[%get3A_35, %get3A_36] : memref<1x8192xf32, #tpu.memory_space<vmem>>, vector<1x4096xf32>
    %get3A_38 = vector.shape_cast %get3A_37 : vector<1x4096xf32> to vector<4096xf32>
    %dot_general3A_39 = arith.constant dense<0.000000e+00> : vector<1024x4096xf32>
    %dot_general3A_40 = tpu.matmul %get3A_3, %get3A_34, %dot_general3A_39 {dimension_numbers = #tpu.dot_dimension_numbers<[1], [1], [0], [0], [0, 0, 1, 0], [], []>, transpose_lhs_hint = false} : vector<1024x64xbf16>, vector<4096x64xbf16>, vector<1024x4096xf32> -> vector<1024x4096xf32>
    %add3A_41 = vector.broadcast %get3A_6 : vector<1024x1xf32> to vector<1024x4096xf32>
    %add3A_42 = arith.addf %add3A_41, %dot_general3A_40 : vector<1024x4096xf32>
    %broadcast_in_dim3A_43 = vector.shape_cast %get3A_38 : vector<4096xf32> to vector<1x4096xf32>
    %add3A_44 = vector.broadcast %broadcast_in_dim3A_43 : vector<1x4096xf32> to vector<1024x4096xf32>
    %add3A_45 = arith.addf %add3A_42, %add3A_44 : vector<1024x4096xf32>
    %max3A_46 = arith.constant 0.000000e+00 : f32
    %max3A_47 = vector.broadcast %max3A_46 : f32 to vector<1024x4096xf32>
    %max3A_48 = arith.maximumf %add3A_45, %max3A_47 : vector<1024x4096xf32>
    %sqrt3A_49 = math.sqrt %max3A_48 : vector<1024x4096xf32>
    %reduce_min3A_50 = arith.constant dense<0x7F800000> : vector<1024xf32>
    %reduce_min3A_51 = vector.multi_reduction <minimumf>, %sqrt3A_49, %reduce_min3A_50 [1] : vector<1024x4096xf32> to vector<1024xf32>
    %iota3A_52 = tpu.iota {dimensions = array<i32: 1>} : vector<1024x4096xi32>
    %convert_element_type3A_53 = arith.sitofp %iota3A_52 : vector<1024x4096xi32> to vector<1024x4096xf32>
    %broadcast_in_dim3A_54 = vector.shape_cast %reduce_min3A_51 : vector<1024xf32> to vector<1024x1xf32>
    %eq3A_55 = vector.broadcast %broadcast_in_dim3A_54 : vector<1024x1xf32> to vector<1024x4096xf32>
    %eq3A_56 = arith.cmpf oeq, %sqrt3A_49, %eq3A_55 : vector<1024x4096xf32>
    %jit3A_57 = arith.constant 4.096000e+03 : f32
    %broadcast_in_dim3A_58 = vector.broadcast %jit3A_57 : f32 to vector<1024x4096xf32>
    %select_n3A_59 = arith.select %eq3A_56, %convert_element_type3A_53, %broadcast_in_dim3A_58 : vector<1024x4096xi1>, vector<1024x4096xf32>
    %reduce_min3A_60 = arith.constant dense<0x7F800000> : vector<1024xf32>
    %reduce_min3A_61 = vector.multi_reduction <minimumf>, %select_n3A_59, %reduce_min3A_60 [1] : vector<1024x4096xf32> to vector<1024xf32>
    %convert_element_type3A_62 = arith.fptosi %reduce_min3A_61 : vector<1024xf32> to vector<1024xi32>
    %add3A_63 = arith.constant 4096 : i32
    %add3A_64 = vector.broadcast %add3A_63 : i32 to vector<1024xi32>
    %add3A_65 = arith.addi %convert_element_type3A_62, %add3A_64 : vector<1024xi32>
    %convert_element_type3A_66 = arith.truncf %reduce_min3A_20 : vector<1024xf32> to vector<1024xbf16>
    %convert_element_type3A_67 = arith.extf %convert_element_type3A_66 : vector<1024xbf16> to vector<1024xf32>
    %lt3A = arith.cmpf olt, %reduce_min3A_51, %convert_element_type3A_67 : vector<1024xf32>
    %select_n3A_68 = arith.select %lt3A, %add3A_65, %add3A_31 : vector<1024xi1>, vector<1024xi32>
    %select_n3A_69 = arith.select %lt3A, %reduce_min3A_51, %reduce_min3A_20 : vector<1024xi1>, vector<1024xf32>
    %swap3A = arith.constant 0 : index
    %swap3A_70 = vector.load %arg5[%swap3A] : memref<1024xi32, #tpu.memory_space<vmem>>, vector<1024xi32>
    tpu.vector_store %arg5[%swap3A], %select_n3A_68 {strides = array<i32>} : memref<1024xi32, #tpu.memory_space<vmem>>, vector<1024xi32>,
    %get3A_71 = arith.constant 0 : index
    %get3A_72 = memref.load %arg11[%get3A_71] : memref<1xf32, #tpu.memory_space<smem>>
    %mul3A = arith.mulf %select_n3A_69, %select_n3A_69 : vector<1024xf32>
    %reduce_sum3A = vector.shape_cast %mul3A : vector<1024xf32> to vector<1x1024xf32>
    %reduce_sum3A_73 = arith.constant dense<0.000000e+00> : vector<1xf32>
    %reduce_sum3A_74 = vector.multi_reduction <add>, %reduce_sum3A, %reduce_sum3A_73 [1] : vector<1x1024xf32> to vector<1xf32>
    %reduce_sum3A_75 = vector.shape_cast %reduce_sum3A_74 : vector<1xf32> to vector<1x1xf32>
    %reduce_sum3A_76 = vector.extract %reduce_sum3A_75[0, 0] : f32 from vector<1x1xf32>
    %add3A_77 = arith.addf %get3A_72, %reduce_sum3A_76 : f32
    %swap3A_78 = arith.constant 0 : index
    %swap3A_79 = memref.load %arg11[%swap3A_78] : memref<1xf32, #tpu.memory_space<smem>>
    memref.store %add3A_77, %arg11[%swap3A_78] : memref<1xf32, #tpu.memory_space<smem>>
    %broadcast_in_dim3A_80 = arith.constant 1.000000e+00 : bf16
    %broadcast_in_dim3A_81 = vector.broadcast %broadcast_in_dim3A_80 : bf16 to vector<1x1024xbf16>
    %convert_element_type3A_82 = arith.sitofp %select_n3A_68 : vector<1024xi32> to vector<1024xf32>
    %iota3A_83 = tpu.iota {dimensions = array<i32: 1>} : vector<1024x4096xi32>
    %convert_element_type3A_84 = arith.sitofp %iota3A_83 : vector<1024x4096xi32> to vector<1024x4096xf32>
    %sub3A = arith.constant 0.000000e+00 : f32
    %sub3A_85 = vector.broadcast %sub3A : f32 to vector<1024xf32>
    %sub3A_86 = arith.subf %convert_element_type3A_82, %sub3A_85 : vector<1024xf32>
    %broadcast_in_dim3A_87 = vector.shape_cast %sub3A_86 : vector<1024xf32> to vector<1024x1xf32>
    %eq3A_88 = vector.broadcast %broadcast_in_dim3A_87 : vector<1024x1xf32> to vector<1024x4096xf32>
    %eq3A_89 = arith.cmpf oeq, %convert_element_type3A_84, %eq3A_88 : vector<1024x4096xf32>
    %jit3A_90 = arith.constant 1.000000e+00 : f32
    %jit3A_91 = arith.constant 0.000000e+00 : f32
    %broadcast_in_dim3A_92 = vector.broadcast %jit3A_90 : f32 to vector<1024x4096xf32>
    %broadcast_in_dim3A_93 = vector.broadcast %jit3A_91 : f32 to vector<1024x4096xf32>
    %select_n3A_94 = arith.select %eq3A_89, %broadcast_in_dim3A_92, %broadcast_in_dim3A_93 : vector<1024x4096xi1>, vector<1024x4096xf32>
    %convert_element_type3A_95 = arith.truncf %select_n3A_94 : vector<1024x4096xf32> to vector<1024x4096xbf16>
    %dot_general3A_96 = arith.constant dense<0.000000e+00> : vector<1x4096xf32>
    %dot_general3A_97 = tpu.matmul %broadcast_in_dim3A_81, %convert_element_type3A_95, %dot_general3A_96 {dimension_numbers = #tpu.dot_dimension_numbers<[1], [0], [0], [1], [0, 0, 1, 1], [], []>, transpose_lhs_hint = false} : vector<1x1024xbf16>, vector<1024x4096xbf16>, vector<1x4096xf32> -> vector<1x4096xf32>
    %get3A_98 = arith.constant 0 : index
    %get3A_99 = vector.load %arg10[%get3A_98] : memref<8192xf32, #tpu.memory_space<vmem>>, vector<4096xf32>
    %squeeze3A = vector.shape_cast %dot_general3A_97 : vector<1x4096xf32> to vector<4096xf32>
    %add3A_100 = arith.addf %get3A_99, %squeeze3A : vector<4096xf32>
    %swap3A_101 = arith.constant 0 : index
    %swap3A_102 = vector.load %arg10[%swap3A_101] : memref<8192xf32, #tpu.memory_space<vmem>>, vector<4096xf32>
    tpu.vector_store %arg10[%swap3A_101], %add3A_100 {strides = array<i32>} : memref<8192xf32, #tpu.memory_space<vmem>>, vector<4096xf32>,
    %sub3A_103 = arith.constant 4.096000e+03 : f32
    %sub3A_104 = vector.broadcast %sub3A_103 : f32 to vector<1024xf32>
    %sub3A_105 = arith.subf %convert_element_type3A_82, %sub3A_104 : vector<1024xf32>
    %broadcast_in_dim3A_106 = vector.shape_cast %sub3A_105 : vector<1024xf32> to vector<1024x1xf32>
    %eq3A_107 = vector.broadcast %broadcast_in_dim3A_106 : vector<1024x1xf32> to vector<1024x4096xf32>
    %eq3A_108 = arith.cmpf oeq, %convert_element_type3A_84, %eq3A_107 : vector<1024x4096xf32>
    %jit3A_109 = arith.constant 1.000000e+00 : f32
    %jit3A_110 = arith.constant 0.000000e+00 : f32
    %broadcast_in_dim3A_111 = vector.broadcast %jit3A_109 : f32 to vector<1024x4096xf32>
    %broadcast_in_dim3A_112 = vector.broadcast %jit3A_110 : f32 to vector<1024x4096xf32>
    %select_n3A_113 = arith.select %eq3A_108, %broadcast_in_dim3A_111, %broadcast_in_dim3A_112 : vector<1024x4096xi1>, vector<1024x4096xf32>
    %convert_element_type3A_114 = arith.truncf %select_n3A_113 : vector<1024x4096xf32> to vector<1024x4096xbf16>
    %dot_general3A_115 = arith.constant dense<0.000000e+00> : vector<1x4096xf32>
    %dot_general3A_116 = tpu.matmul %broadcast_in_dim3A_81, %convert_element_type3A_114, %dot_general3A_115 {dimension_numbers = #tpu.dot_dimension_numbers<[1], [0], [0], [1], [0, 0, 1, 1], [], []>, transpose_lhs_hint = false} : vector<1x1024xbf16>, vector<1024x4096xbf16>, vector<1x4096xf32> -> vector<1x4096xf32>
    %get3A_117 = arith.constant 4096 : index
    %get3A_118 = vector.load %arg10[%get3A_117] : memref<8192xf32, #tpu.memory_space<vmem>>, vector<4096xf32>
    %squeeze3A_119 = vector.shape_cast %dot_general3A_116 : vector<1x4096xf32> to vector<4096xf32>
    %add3A_120 = arith.addf %get3A_118, %squeeze3A_119 : vector<4096xf32>
    %swap3A_121 = arith.constant 4096 : index
    %swap3A_122 = vector.load %arg10[%swap3A_121] : memref<8192xf32, #tpu.memory_space<vmem>>, vector<4096xf32>
    tpu.vector_store %arg10[%swap3A_121], %add3A_120 {strides = array<i32>} : memref<8192xf32, #tpu.memory_space<vmem>>, vector<4096xf32>,
    %eq3A_123 = arith.constant 15 : i32
    %eq3A_124 = arith.cmpi eq, %arg0, %eq3A_123 : i32
    %convert_element_type3A_125 = arith.extui %eq3A_124 : i1 to i32
    %cond3A_126 = arith.constant 0 : i32
    %cond3A_127 = arith.cmpi ne, %convert_element_type3A_125, %cond3A_126 : i32
    scf.if %cond3A_127 {
      %get3A_128 = arith.constant 0 : index
      %get3A_129 = memref.load %arg11[%get3A_128] : memref<1xf32, #tpu.memory_space<smem>>
      %mul3A_130 = arith.constant 9.53674316E-7 : f32
      %mul3A_131 = arith.mulf %get3A_129, %mul3A_130 : f32
      %broadcast_in_dim3A_132 = vector.broadcast %mul3A_131 : f32 to vector<1x1xf32>
      %swap3A_133 = arith.constant 0 : index
      %swap3A_134 = arith.constant 0 : index
      %swap3A_135 = vector.load %arg6[%swap3A_133, %swap3A_134] : memref<1x1xf32, #tpu.memory_space<vmem>>, vector<1x1xf32>
      tpu.vector_store %arg6[%swap3A_133, %swap3A_134], %broadcast_in_dim3A_132 {strides = array<i32>} : memref<1x1xf32, #tpu.memory_space<vmem>>, vector<1x1xf32>,
      %mul3A_136 = arith.constant 2.500000e-01 : f32
      %mul3A_137 = arith.mulf %mul3A_136, %mul3A_131 : f32
      %broadcast_in_dim3A_138 = vector.broadcast %mul3A_137 : f32 to vector<1x1xf32>
      %swap3A_139 = arith.constant 0 : index
      %swap3A_140 = arith.constant 0 : index
      %swap3A_141 = vector.load %arg7[%swap3A_139, %swap3A_140] : memref<1x1xf32, #tpu.memory_space<vmem>>, vector<1x1xf32>
      tpu.vector_store %arg7[%swap3A_139, %swap3A_140], %broadcast_in_dim3A_138 {strides = array<i32>} : memref<1x1xf32, #tpu.memory_space<vmem>>, vector<1x1xf32>,
      %get3A_142 = arith.constant 0 : index
      %get3A_143 = vector.load %arg10[%get3A_142] : memref<8192xf32, #tpu.memory_space<vmem>>, vector<8192xf32>
      %mul3A_144 = arith.constant 6.10351563E-5 : f32
      %mul3A_145 = vector.broadcast %mul3A_144 : f32 to vector<8192xf32>
      %mul3A_146 = arith.mulf %get3A_143, %mul3A_145 : vector<8192xf32>
      %add3A_147 = arith.constant 1.000000e-10 : f32
      %add3A_148 = vector.broadcast %add3A_147 : f32 to vector<8192xf32>
      %add3A_149 = arith.addf %mul3A_146, %add3A_148 : vector<8192xf32>
      %log3A = math.log %add3A_149 : vector<8192xf32>
      %mul3A_150 = arith.mulf %mul3A_146, %log3A : vector<8192xf32>
      %reduce_sum3A_151 = vector.shape_cast %mul3A_150 : vector<8192xf32> to vector<1x8192xf32>
      %reduce_sum3A_152 = arith.constant dense<0.000000e+00> : vector<1xf32>
      %reduce_sum3A_153 = vector.multi_reduction <add>, %reduce_sum3A_151, %reduce_sum3A_152 [1] : vector<1x8192xf32> to vector<1xf32>
      %reduce_sum3A_154 = vector.shape_cast %reduce_sum3A_153 : vector<1xf32> to vector<1x1xf32>
      %reduce_sum3A_155 = vector.extract %reduce_sum3A_154[0, 0] : f32 from vector<1x1xf32>
      %neg3A = arith.constant 0.000000e+00 : f32
      %neg3A_156 = arith.subf %neg3A, %reduce_sum3A_155 : f32
      %exp3A = math.exp %neg3A_156 : f32
      %broadcast_in_dim3A_157 = vector.broadcast %exp3A : f32 to vector<1x1xf32>
      %swap3A_158 = arith.constant 0 : index
      %swap3A_159 = arith.constant 0 : index
      %swap3A_160 = vector.load %arg8[%swap3A_158, %swap3A_159] : memref<1x1xf32, #tpu.memory_space<vmem>>, vector<1x1xf32>
      tpu.vector_store %arg8[%swap3A_158, %swap3A_159], %broadcast_in_dim3A_157 {strides = array<i32>} : memref<1x1xf32, #tpu.memory_space<vmem>>, vector<1x1xf32>,
      %get3A_161 = arith.constant 0 : index
      %get3A_162 = vector.load %arg10[%get3A_161] : memref<8192xf32, #tpu.memory_space<vmem>>, vector<8192xf32>
      %gt3A = arith.constant 0.000000e+00 : f32
      %gt3A_163 = vector.broadcast %gt3A : f32 to vector<8192xf32>
      %gt3A_164 = arith.cmpf ogt, %get3A_162, %gt3A_163 : vector<8192xf32>
      %convert_element_type3A_165 = arith.extui %gt3A_164 : vector<8192xi1> to vector<8192xi32>
      %reduce_sum3A_166 = vector.shape_cast %convert_element_type3A_165 : vector<8192xi32> to vector<1x8192xi32>
      %reduce_sum3A_167 = arith.constant dense<0> : vector<1xi32>
      %reduce_sum3A_168 = vector.multi_reduction <add>, %reduce_sum3A_166, %reduce_sum3A_167 [1] : vector<1x8192xi32> to vector<1xi32>
      %reduce_sum3A_169 = vector.shape_cast %reduce_sum3A_168 : vector<1xi32> to vector<1x1xi32>
      %reduce_sum3A_170 = vector.extract %reduce_sum3A_169[0, 0] : i32 from vector<1x1xi32>
      %broadcast_in_dim3A_171 = vector.broadcast %reduce_sum3A_170 : i32 to vector<1x1xi32>
      %swap3A_172 = arith.constant 0 : index
      %swap3A_173 = arith.constant 0 : index
      %swap3A_174 = vector.load %arg9[%swap3A_172, %swap3A_173] : memref<1x1xi32, #tpu.memory_space<vmem>>, vector<1x1xi32>
      tpu.vector_store %arg9[%swap3A_172, %swap3A_173], %broadcast_in_dim3A_171 {strides = array<i32>} : memref<1x1xi32, #tpu.memory_space<vmem>>, vector<1x1xi32>,
    } else {
    }
    return
  }
  func.func @transform_0(%arg0: i32) -> (i32, i32) {
    %c0_i32 = arith.constant 0 : i32
    %c0_i32_0 = arith.constant 0 : i32
    return %arg0, %c0_i32 : i32, i32
  }
  func.func @transform_1(%arg0: i32) -> (i32, i32) {
    %c0_i32 = arith.constant 0 : i32
    %c0_i32_0 = arith.constant 0 : i32
    %c0_i32_1 = arith.constant 0 : i32
    return %c0_i32, %c0_i32_0 : i32, i32
  }
  func.func @transform_2(%arg0: i32) -> (i32, i32) {
    %c0_i32 = arith.constant 0 : i32
    %c0_i32_0 = arith.constant 0 : i32
    return %arg0, %c0_i32 : i32, i32
  }
  func.func @transform_3(%arg0: i32) -> (i32, i32) {
    %c0_i32 = arith.constant 0 : i32
    %c0_i32_0 = arith.constant 0 : i32
    %c0_i32_1 = arith.constant 0 : i32
    return %c0_i32, %c0_i32_0 : i32, i32
  }
  func.func @transform_4(%arg0: i32) -> i32 {
    %c0_i32 = arith.constant 0 : i32
    return %arg0 : i32
  }
  func.func @transform_5(%arg0: i32) -> (i32, i32) {
    %c0_i32 = arith.constant 0 : i32
    %c0_i32_0 = arith.constant 0 : i32
    %c0_i32_1 = arith.constant 0 : i32
    return %c0_i32, %c0_i32_0 : i32, i32
  }
  func.func @transform_6(%arg0: i32) -> (i32, i32) {
    %c0_i32 = arith.constant 0 : i32
    %c0_i32_0 = arith.constant 0 : i32
    %c0_i32_1 = arith.constant 0 : i32
    return %c0_i32, %c0_i32_0 : i32, i32
  }
  func.func @transform_7(%arg0: i32) -> (i32, i32) {
    %c0_i32 = arith.constant 0 : i32
    %c0_i32_0 = arith.constant 0 : i32
    %c0_i32_1 = arith.constant 0 : i32
    return %c0_i32, %c0_i32_0 : i32, i32
  }
  func.func @transform_8(%arg0: i32) -> (i32, i32) {
    %c0_i32 = arith.constant 0 : i32
    %c0_i32_0 = arith.constant 0 : i32
    %c0_i32_1 = arith.constant 0 : i32
    return %c0_i32, %c0_i32_0 : i32, i32
  }
}

</mosaic_0001>

<sc_bundles>
// kernel: kernel.4.cloned.1.call-start
scs
__scs_entry_jumppad:
0x0: {  	(pc) =	sbr.rel $0x88, $3  }
0x1: {  	(tag) =	ssettag $0x0;
	lr =	simm.s32 $0x1  }
0x2: {  	[smem:$0x3F9F] =	sst lr;
	_ =	strace $0xD0000000  }
0x3: {  	_ = 	snop  }
0x4: {  	_ = 	snop  }
0x5: {  	_ = 	snop  }
0x6: {  	_ = 	snop  }
0x7: {  	_ = 	snop  }
__scs_overlays_trampoline_lowered:
0x8: {  	[smem:$0x3FAE] =	sst s0  }
0x9: {  	[smem:$0x3FAF] =	sst s1  }
0xa: {  	[smem:$0x3FB0] =	sst s2  }
0xb: {  	[smem:$0x3FB1] =	sst s3  }
0xc: {  	[smem:$0x3FB2] =	sst s4  }
0xd: {  	[smem:$0x3FB3] =	sst s5  }
0xe: {  	[smem:$0x3FB4] =	sst s6  }
0xf: {  	[smem:$0x3FB5] =	sst s7  }
0x10: {  	[smem:$0x3FB6] =	sst s8  }
0x11: {  	[smem:$0x3FB7] =	sst s9;
	s0 =	simm.s32 @!p0 $0x0  }
0x12: {  	s1 =	sld [smem:$0x3F9D];
	s0 =	simm.s32 @p0 $0x1  }
0x13: {  	[smem:$0x3FB8] =	sst s0;
	s0 =	simm.s32 @!p1 $0x0  }
0x14: {  	s2 =	sld [smem:$0x3F9C];
	s0 =	simm.s32 @p1 $0x1  }
0x15: {  	[smem:$0x3FB9] =	sst s0;
	s0 =	simm.s32 @!p2 $0x0  }
0x16: {  	s3 =	sld [smem:$0x3FDB];
	s0 =	simm.s32 @p2 $0x1  }
0x17: {  	s4 =	simm.s32 $0x1BF5;
	[smem:$0x3FBB] =	sst s0  }
0x18: {  	s0 =	sld [smem:$0x3F9E];
	_ =	swait.ge [sflag:s4], $0x0  }
0x19: {  	s7 =	sld [smem:$0x3F9F]  }
0x1a: {  	s8 =	sadd.s32 $0xFFFFE003, lr  }
0x1b: {  	s9 =	sadd.s32 $0xFFFFFEF7, lr;
	s5 =	simm.s32 $0xFFFFFFFF;
	p2 =	slt.u32 s8, $0xFFFFF086  }
0x1c: {  	p1 =	slt.u32 s9, $0xF7A;
	s5 =	simm.s32 @!p2 $0x0  }
0x1d: {  	s5 =	simm.s32 @p1 $0x1;
	p0 =	seq.s32 s7, s2  }
0x1e: {  	s7 =	smul.u32 @!p0 $0xF7A, s2;
	p2 =	seq.s32 @!p0 s5, $0x0  }
0x1f: {  	s9 =	smul.u32 $0xF7A, s1;
	s8 =	simm.s32 @!p0 $0x1BF5;
	p2 =	por !p2, p0  }
0x20: {  	[sflag:s8] =	ssyncset.s32 @!p0 $0xFFFFF086;
	s6 =	sadd.s32 @!p0 s3, s7;
	s7 =	simm.s32 @!p0 $0x108  }
0x21: {  	s3 =	sadd.s32 s3, s9;
	s6 =	sadd.s32 @!p0 $0x88, s6;
	s7 =	simm.s32 @p2 $0x1082  }
0x22: {  	[simem:s7], [sflag:s8] =	dma.local @!p0 [hbm:s6], $0xF7A  }
0x23: {  	s9 =	sor.u32 $0xD0000000, s2;
	s6 =	simm.s32 $0x108;
	_ =	swait.ge @!p0 [sflag:s8], $0x0  }
0x24: {  	s3 =	sadd.s32 $0x88, s3;
	s6 =	simm.s32 @!p1 $0x1082;
	[sflag:s4] =	ssyncset.s32 $0xFFFFF086  }
0x25: {  	[simem:s6], [sflag:s4] =	dma.local [hbm:s3], $0xF7A  }
0x26: {  	[smem:$0x3F9F] =	sst s1;
	(tag) =	ssettag s2;
	_ =	strace s9  }
0x27: {  	s1 =	sld [smem:$0x3FAF]  }
0x28: {  	s2 =	sld [smem:$0x3FB0]  }
0x29: {  	s4 =	sld [smem:$0x3FB2]  }
0x2a: {  	p0 =	seq.s32 s5, $0x0;
	s5 =	sld [smem:$0x3FB3]  }
0x2b: {  	s6 =	sld [smem:$0x3FB4]  }
0x2c: {  	s7 =	sld [smem:$0x3FB5]  }
0x2d: {  	s3 =	simm.s32 $0x108;
	s8 =	sld [smem:$0x3FB6]  }
0x2e: {  	s3 =	simm.s32 @!p0 $0x1082;
	s9 =	sld [smem:$0x3FB7]  }
0x2f: {  	lr =	sadd.s32 s0, s3;
	s0 =	sld [smem:$0x3FAE]  }
0x30: {  	s3 =	sld [smem:$0x3FB1]  }
0x31: {  	[smem:$0x3FBA] =	sst s10  }
0x32: {  	s10 =	sld [smem:$0x3FB8];
	_ =	sdelay $0x3  }
0x33: {  	p0 =	seq.s32 s10, $0x1;
	s10 =	sld [smem:$0x3FBA];
	_ =	sdelay $0x3  }
0x34: {  	[smem:$0x3FBA] =	sst s10  }
0x35: {  	s10 =	sld [smem:$0x3FB9];
	_ =	sdelay $0x3  }
0x36: {  	p1 =	seq.s32 s10, $0x1;
	s10 =	sld [smem:$0x3FBA];
	_ =	sdelay $0x3  }
0x37: {  	[smem:$0x3FBA] =	sst s10  }
0x38: {  	s10 =	sld [smem:$0x3FBB]  }
0x39: {  	_ = 	snop;
	(pc) =	sbr.ind lr, $3  }
0x3a: {  	_ = 	snop  }
0x3b: {  	_ = 	snop  }
0x3c: {  	p2 =	seq.s32 s10, $0x1;
	s10 =	sld [smem:$0x3FBA]  }
0x3d: {  	_ =	shalt  }
0x3e: {  	_ =	shalt  }
0x3f: {  	_ =	shalt  }
0x40: {  	_ =	shalt  }
0x41: {  	_ =	shalt  }
0x42: {  	_ =	shalt  }
0x43: {  	_ =	shalt  }
0x44: {  	_ =	shalt  }
0x45: {  	_ =	shalt  }
0x46: {  	_ =	shalt  }
0x47: {  	_ =	shalt  }
0x48: {  	_ =	shalt  }
0x49: {  	_ =	shalt  }
0x4a: {  	_ =	shalt  }
0x4b: {  	_ =	shalt  }
0x4c: {  	_ =	shalt  }
0x4d: {  	_ =	shalt  }
0x4e: {  	_ =	shalt  }
0x4f: {  	_ =	shalt  }
0x50: {  	_ =	shalt  }
0x51: {  	_ =	shalt  }
0x52: {  	_ =	shalt  }
0x53: {  	_ =	shalt  }
0x54: {  	_ =	shalt  }
0x55: {  	_ =	shalt  }
0x56: {  	_ =	shalt  }
0x57: {  	_ =	shalt  }
0x58: {  	_ =	shalt  }
0x59: {  	_ =	shalt  }
0x5a: {  	_ =	shalt  }
0x5b: {  	_ =	shalt  }
0x5c: {  	_ =	shalt  }
0x5d: {  	_ =	shalt  }
0x5e: {  	_ =	shalt  }
0x5f: {  	_ =	shalt  }
0x60: {  	_ =	shalt  }
0x61: {  	_ =	shalt  }
0x62: {  	_ =	shalt  }
0x63: {  	_ =	shalt  }
0x64: {  	_ =	shalt  }
0x65: {  	_ =	shalt  }
0x66: {  	_ =	shalt  }
0x67: {  	_ =	shalt  }
0x68: {  	_ =	shalt  }
0x69: {  	_ =	shalt  }
0x6a: {  	_ =	shalt  }
0x6b: {  	_ =	shalt  }
0x6c: {  	_ =	shalt  }
0x6d: {  	_ =	shalt  }
0x6e: {  	_ =	shalt  }
0x6f: {  	_ =	shalt  }
0x70: {  	_ =	shalt  }
0x71: {  	_ =	shalt  }
0x72: {  	_ =	shalt  }
0x73: {  	_ =	shalt  }
0x74: {  	_ =	shalt  }
0x75: {  	_ =	shalt  }
0x76: {  	_ =	shalt  }
0x77: {  	_ =	shalt  }
0x78: {  	_ =	shalt  }
0x79: {  	_ =	shalt  }
0x7a: {  	_ =	shalt  }
0x7b: {  	_ =	shalt  }
0x7c: {  	_ =	shalt  }
0x7d: {  	_ =	shalt  }
0x7e: {  	_ =	shalt  }
0x7f: {  	_ =	shalt  }
0x80: {  	_ =	shalt  }
0x81: {  	_ =	shalt  }
0x82: {  	_ =	shalt  }
0x83: {  	_ =	shalt  }
0x84: {  	_ =	shalt  }
0x85: {  	_ =	shalt  }
0x86: {  	_ =	shalt  }
0x87: {  	_ =	shalt  }
.Lfunc_end0:
.L_simem_size_0:
called_computation_lowered:
.L_overlay_start_0:
0x88: {  	s2 =	sld [smem:$0x3FD9]  }
0x89: {  	s3 =	sld [smem:$0x3FFE];
	_ =	sdelay $0x1  }
0x8a: {  	s1 =	srdreg.scid  }
0x8b: {  	s0 =	sand.u32 $0x1, s1  }
0x8c: {  	s14 =	sshll.u32 s0, $0xA;
	s2 =	sadd.s32 s3, s2  }
0x8d: {  	s2 =	sadd.s32 s2, s14  }
0x8e: {  	[smem:$0x3FC6] =	sst s2  }
0x8f: {  	_ = 	snop  }
0x90: {  	s2 =	sld [smem:$0x3FD0];
	_ =	sdelay $0x2  }
0x91: {  	s15 =	simm.s32 $0xA;
	s4 =	simm.s32 $0x10  }
0x92: {  	[smem:s4], [sflag:s15] =	dma.local [hbm:s2], $0x1  }
0x93: {  	_ =	swait.eq [sflag:s15], $0x1  }
0x94: {  	[sflag:s15] =	ssyncset.done $0x0  }
0x95: {  	s16 =	sld [smem:$0x10];
	[sflag:s15] =	ssyncadd.s32 $0xFFFFFFFF  }
0x96: {  	s17 =	sld [smem:$0x13];
	(tm) =	ssettm $0x1  }
0x97: {  	s18 =	sld [smem:$0x3FFB];
	_ =	sdelay $0x3  }
0x98: {  	_ =	strace s18  }
0x99: {  	s4 =	sld [smem:$0x3FFC];
	_ =	sdelay $0x3  }
0x9a: {  	_ =	strace s4  }
0x9b: {  	s4 =	sld [smem:$0x3FFD];
	_ =	sdelay $0x3  }
0x9c: {  	_ =	strace s4  }
0x9d: {  	_ =	strace $0x8FFFFFFF  }
0x9e: {  	s19 =	sld [smem:$0x3FDB];
	_ =	sdelay $0x1  }
0x9f: {  	s5 =	simm.s32 $_scs_section_size  }
0xa0: {  	s6 =	simm.s32 $_size__tile_overlayer_lowered;
	s7 =	simm.s32 $_tile_overlayer_lowered  }
0xa1: {  	s22 =	simm.s32 $0x1BFF;
	s21 =	sshll.u32 s7, $0x1;
	s4 =	sadd.s32 s5, s19  }
0xa2: {  	s8 =	simm.s32 $0x0;
	s20 =	sshll.u32 s6, $0x1;
	s6 =	sadd.s32 s21, s4  }
0xa3: {  	[timem:s8], [sflag:s22] =	dma.local [hbm:s6], s20  }
0xa4: {  	_ =	swait.ge [sflag:s22], s20  }
0xa5: {  	s5 =	ssub.s32 $0x0, s20;
	[sflag:s22] =	ssyncset.done $0x0  }
0xa6: {  	[sflag:s22] =	ssyncadd.s32 s5;
	_ =	sdelay $0x1  }
0xa7: {  	s23 =	simm.s32 $0x1B8B  }
0xa8: {  	_ =	swait.ge [sflag:s23], $0x1  }
0xa9: {  	[sflag:s23] =	ssyncset.done $0x0  }
0xaa: {  	s25 =	simm.s32 $0x1B8E;
	s24 =	sld [smem:$0x3FFE];
	[sflag:s23] =	ssyncadd.s32 $0xFFFFFFFF  }
0xab: {  	s26 =	simm.s32 $execute0_lowered;
	[smem:$0x3FD2] =	sst s25  }
0xac: {  	s6 =	sshll.u32 s26, $0x1;
	_ =	strace $0x80000046;
	[dreg:$0x1] =	wrdreg $0xFFFFFFFF  }
0xad: {  	s28 =	simm.s32 $_size_execute0_lowered;
	s4 =	sadd.s32 s4, s6;
	[dreg:$0x0] =	wrdreg $0x0  }
0xae: {  	s6 =	sshll.u32 s28, $0x1;
	[dreg:$0x2] =	wrdreg s4  }
0xaf: {  	[dreg:$0x3] =	wrdreg s6  }
0xb0: {  	[dreg:$0x4] =	wrdreg $0xC0  }
0xb1: {  	_ =	task [dreg:s8], $0x5FFFF  }
0xb2: {  	[dreg:$0x1] =	wrdreg $0xFFFFFFFF  }
0xb3: {  	[dreg:$0x0] =	wrdreg $0x60  }
0xb4: {  	[dreg:$0x2] =	wrdreg s24  }
0xb5: {  	[dreg:$0x3] =	wrdreg s17  }
0xb6: {  	[dreg:$0x4] =	wrdreg s16  }
0xb7: {  	[dreg:$0x5] =	wrdreg $0x9  }
0xb8: {  	_ =	task.clear_ibuf [dreg:s8], $0x6FFFF;
	_ =	strace $0x90000046  }
0xb9: {  	s29 =	simm.s32 $0x9;
	_ =	strace $0x80000048  }
0xba: {  	_ =	swait.ge [sflag:s29], $0x1  }
0xbb: {  	[sflag:s29] =	ssyncadd.s32 $0xFFFFFFFF  }
0xbc: {  	_ =	strace $0x90000048  }
0xbd: {  	_ =	sfence  }
0xbe: {  	s30 =	sld [smem:$0x0];
	_ =	sdelay $0x2  }
0xbf: {  	s31 =	sshll.u32 s1, $0xD;
	s1 =	sshrl.u32 s1, $0x2  }
0xc0: {  	s3 =	sand.u32 $0x4000, s31;
	s1 =	sadd.s32 s1, s30  }
0xc1: {  	s0 =	sor.u32 s3, s0;
	s1 =	sshll.u32 s1, $0x11  }
0xc2: {  	s0 =	sor.u32 s1, s0  }
0xc3: {  	s0 =	sadd.s32 $0x8F2B, s0  }
0xc4: {  	[sflag:s0] =	ssyncadd.remote.s32 $0x1  }
0xc5: {  	_ =	sfence.sel $0xFFFF  }
0xc6: {  	[dreg:$0x0] =	wrdreg $0xFFFFFFFF;
	(pc) =	sbr.abs _section_cstart, $3  }
0xc7: {  	[dreg:$0x1] =	wrdreg $0xFFFFFFFF  }
0xc8: {  	_ =	task.clear_ibuf [dreg:s8], $0x2FFFF;
	_ =	strace $0x9FFFFFFF  }
0xc9: {  	(tm) =	ssettm $0x7FFFFFFF  }
tec
execute0_lowered:
.L_overlay_start_1:
0x0: {  	(tag) =	ssettag $0x1  }
0x1: {  	s5 =	rddreg [dreg:$0x0]  }
0x2: {  	s1 =	srdreg.scid;
	s3 =	rddreg [dreg:$0x1]  }
0x3: {  	s0 =	stileid.u32;
	s8 =	rddreg [dreg:$0x2];
	s6 =	sand.u32 $0x1, s1  }
0x4: {  	s2 =	simm.s32 $0x0;
	s4 =	sshll.u32 s0, $0xA;
	s7 =	sshll.u32 s6, $0x9  }
0x5: {  	[smem:$0x7FF] =	sst s2;
	s9 =	sor.u32 s7, s4  }
0x6: {  	s1 =	rddreg [dreg:$0x3];
	_ =	strace $0x80000047;
	s4 =	sshrl.u32 s9, $0x3  }
0x7: {  	s10 =	ssub.s32 $0x2, s6;
	s4 =	sadd.s32 s3, s4;
	s3 =	simm.s32 $0x2  }
0x8: {  	[tilespmem:s2], [sflag:$0x2] =	stream.linear.gather [hbm4b:s4+s2], $0x200, $0x38;
	[tilespmem:$0x8200] =	vst v63  }
0x9: {  	s5 =	sadd.s32 $0x200, s5;
	s11 =	sshrl.u32 s10, $0x1;
	_ =	swait.ge [sflag:s3], $0x200  }
0xa: {  	s6 =	simm.s32 $0x200;
	s10 =	ssub.s32 s10, s11;
	[sflag:s3] =	ssyncset.done $0x0  }
0xb: {  	s7 =	simm.s32 $0x1;
	s31 =	smax.u32 s10, $0x1;
	[sflag:s3] =	ssyncadd.s32 $0xFFFFFE00  }
0xc: {  	[tilespmem:s6], [sflag:$0x1] =	stream.indirect.gather [hbm4b:s5+s6], $0x40, s2, s6, $0xb8;
	[tilespmem:$0x8200] =	vst v63  }
0xd: {  	p0 =	sne.s32 s31, $0x1;
	_ =	swait.ge [sflag:s7], $0x8000  }
.Ltmp0:
0xe: {  	s9 =	sshll.u32 s9, $0x3;
	[sflag:s7] =	ssyncset.done $0x0;
	(pc) =	sbr.rel @!p0 .LBB2_2-.Ltmp0, $4  }
0xf: {  	s8 =	sadd.s32 s8, s9;
	[sflag:s7] =	ssyncadd.s32 $0xFFFF8000  }
0x10: {  	[hbm4b:s8+s2] =	stream.linear.scatter [tilespmem:s6], [sflag:$0x2], $0x8000, $0x38;
	[tilespmem:$0x8200] =	vst v63  }
0x11: {  	_ =	swait.ge [sflag:s3], $0x8000  }
0x12: {  	s9 =	sadd.s32 $0xFFFFFFFF, s31;
	[sflag:s3] =	ssyncset.done $0x0  }
.LBB2_1:
0x13: {  	p0 =	sne.s32 s9, $0x1;
	s9 =	sadd.s32 $0xFFFFFFFF, s9;
	[sflag:s3] =	ssyncadd.s32 $0xFFFF8000  }
0x14: {  	[tilespmem:s2], [sflag:$0x2] =	stream.linear.gather [hbm4b:s4+s2], $0x200, $0x38;
	[tilespmem:$0x8200] =	vst v63  }
0x15: {  	_ =	swait.ge [sflag:s3], $0x200  }
0x16: {  	[sflag:s3] =	ssyncset.done $0x0  }
0x17: {  	[sflag:s3] =	ssyncadd.s32 $0xFFFFFE00  }
0x18: {  	[tilespmem:s6], [sflag:$0x1] =	stream.indirect.gather [hbm4b:s5+s6], $0x40, s2, s6, $0xb8;
	[tilespmem:$0x8200] =	vst v63  }
0x19: {  	_ =	swait.ge [sflag:s7], $0x8000  }
.Ltmp1:
0x1a: {  	[sflag:s7] =	ssyncset.done $0x0;
	(pc) =	sbr.rel @p0 .LBB2_1-.Ltmp1, $4  }
0x1b: {  	[sflag:s7] =	ssyncadd.s32 $0xFFFF8000  }
0x1c: {  	[hbm4b:s8+s2] =	stream.linear.scatter [tilespmem:s6], [sflag:$0x2], $0x8000, $0x38;
	[tilespmem:$0x8200] =	vst v63  }
0x1d: {  	_ =	swait.ge [sflag:s3], $0x8000  }
0x1e: {  	[sflag:s3] =	ssyncset.done $0x0  }
.LBB2_2:
0x1f: {  	[sflag:s3] =	ssyncadd.s32 $0xFFFF8000  }
0x20: {  	_ =	sfence.sel $0x180000  }
0x21: {  	[bflag:$0x0] =	sbarrier.arrive $0xFFFF  }
0x22: {  	p0 =	sne.s32 s0, $0x0;
	_ =	strace $0x90000047  }
0x23: {  	s0 =	sadd.s32 @!p0 $0x100000, s1;
	[bflag:$0x2] =	sbarrier.arrive $0xFFFF  }
0x24: {  	[sflag:s0] =	ssyncadd.tile.s32 @!p0 $0x1;
	_ =	shalt  }
.Lfunc_end2:
_tile_overlayer_lowered:
.L_overlay_start_2:
0x25: {  	(tag) =	ssettag $0x2  }
0x26: {  	s0 =	rddreg [dreg:$0x0];
	s2 =	stileid.u32  }
0x27: {  	s1 =	rddreg [dreg:$0x1];
	p0 =	sne.s32 s2, $0x0  }
0x28: {  	s3 =	rddreg [dreg:$0x2];
	[bflag:$0x3] =	sbarrier.arrive $0xFFFF;
	s2 =	simm.s32 @!p0 $0x1C02  }
0x29: {  	[timem:s3], [sflag:s2] =	dma.local @!p0 [hbm:s0], s1  }
0x2a: {  	s0 =	simm.s32 @!p0 $0x2  }
0x2b: {  	_ =	swait.ge @!p0 [sflag:s0], s1  }
0x2c: {  	s1 =	ssub.s32 @!p0 $0x0, s1;
	[sflag:s0] =	ssyncset.done @!p0 $0x0  }
0x2d: {  	[sflag:s0] =	ssyncadd.s32 @!p0 s1  }
0x2e: {  	[bflag:$0x3] =	sbarrier.arrive $0xFFFF  }
0x2f: {  	_ =	shalt  }

</sc_bundles>
